<compile_context>
chip_gen: v7x
topology: tpu7x:2x2x1
jax: 0.10.2.dev20260603
libtpu: 0.0.44.dev20260713+nightly
codegen_flags: <defaults>
</compile_context>

<pallas_src>
import functools

import jax
import jax.numpy as jnp
from jax import lax
from jax.experimental import pallas as pl
from jax.experimental.pallas import tpu as pltpu
from jax.experimental.pallas import tpu_sc as plsc

_B = 1024
_K = 1024
_D = 64
_BB = 32


def _argmin_kernel(x_ref, lmt_ref, idx_ref):
    x = x_ref[...]
    lmt = lmt_ref[...]
    xlm = jax.lax.dot_general(
        x, lmt, (((1,), (0,)), ((), ())), preferred_element_type=jnp.float32
    )
    x2 = jnp.sum(x * x, axis=1, keepdims=True)
    lm2 = jnp.sum(lmt * lmt, axis=0, keepdims=True)
    dist = x2 + lm2 - 2.0 * xlm
    dmin = jnp.min(dist, axis=1, keepdims=True)
    iota = jax.lax.broadcasted_iota(jnp.int32, dist.shape, 1)
    idx = jnp.min(jnp.where(dist == dmin, iota, _K), axis=1, keepdims=True)
    idx_ref[...] = idx


def _delta_kernel(x_ref, lmt_ref, h_ref, out_ref):
    x = x_ref[...]
    lmt = lmt_ref[...]
    h = h_ref[...]
    out_ref[...] = h[:, None, :] * (x[:, :, None] - lmt[None, :, :])


def _make_sc_gather():
    info = plsc.get_sparse_core_info()
    nw = info.num_cores * info.num_subcores
    b_per_w = _B // nw
    mesh = plsc.VectorSubcoreMesh(core_axis_name="c", subcore_axis_name="s")

    @functools.partial(
        pl.kernel, mesh=mesh,
        out_type=jax.ShapeDtypeStruct((_B, _K), jnp.float32),
        scratch_types=[
            pltpu.VMEM((b_per_w,), jnp.int32),
            pltpu.VMEM((b_per_w, _K), jnp.float32),
            pltpu.SemaphoreType.DMA,
        ],
    )
    def gather_k(table_hbm, idx_hbm, out_hbm, idx_v, rows_v, sem):
        wid = lax.axis_index("s") * info.num_cores + lax.axis_index("c")
        base = wid * b_per_w
        pltpu.sync_copy(idx_hbm.at[pl.ds(base, b_per_w)], idx_v)
        pltpu.async_copy(table_hbm.at[idx_v], rows_v, sem).wait()
        pltpu.sync_copy(rows_v, out_hbm.at[pl.ds(base, b_per_w)])

    return gather_k


_sc_gather = _make_sc_gather()


@jax.jit
def kernel(x, landmarks, qd):
    lmt = landmarks.T
    idx2d = pl.pallas_call(
        _argmin_kernel,
        grid=(1,),
        in_specs=[
            pl.BlockSpec((_B, _D), lambda i: (0, 0)),
            pl.BlockSpec((_D, _K), lambda i: (0, 0)),
        ],
        out_specs=pl.BlockSpec((_B, 1), lambda i: (0, 0)),
        out_shape=jax.ShapeDtypeStruct((_B, 1), jnp.int32),
    )(x, lmt)
    idx = idx2d.reshape(_B)
    h = _sc_gather(qd, idx)
    out_t = pl.pallas_call(
        _delta_kernel,
        grid=(_B // _BB,),
        in_specs=[
            pl.BlockSpec((_BB, _D), lambda i: (i, 0)),
            pl.BlockSpec((_D, _K), lambda i: (0, 0)),
            pl.BlockSpec((_BB, _K), lambda i: (i, 0)),
        ],
        out_specs=pl.BlockSpec((_BB, _D, _K), lambda i: (i, 0, 0)),
        out_shape=jax.ShapeDtypeStruct((_B, _D, _K), jnp.float32),
        compiler_params=pltpu.CompilerParams(
            dimension_semantics=("parallel",),
        ),
    )(x, lmt, h)
    return jnp.swapaxes(out_t, 1, 2)

# --- scband reference (transcript-rebuilt; emitter-appended) ---
"""Pipeline reference for scband-som-89687507075387 (READ-ONLY COPY).

The authoritative reference and input builder live on the scoring server;
editing this copy changes nothing except your own understanding.
"""

import jax, jax.numpy as jnp
import numpy as np

MAP_SHAPE = (32, 32)
R = 1.0
GAMMA = 1.0 / (2.0 * R ** 2)
NUM_FEATURE = 64
BATCH = 1024
K_LM = MAP_SHAPE[0] * MAP_SHAPE[1]


def _calc_qd():
    # pairwise squared grid distances between all SOM map cells, then gaussian kernel
    coords = np.array([(ii, jj) for ii in range(MAP_SHAPE[0]) for jj in range(MAP_SHAPE[1])], dtype=np.float32)
    diff = coords[:, None, :] - coords[None, :, :]
    qd = np.square(diff).sum(-1)
    return np.exp(-GAMMA * qd).astype(np.float32)


def setup_inputs(seed: int = 0):
    key = jax.random.key(seed)
    k1, k2 = jax.random.split(key)
    x = jax.random.normal(k1, (BATCH, NUM_FEATURE), dtype=jnp.float32)
    landmarks = jax.random.normal(k2, (K_LM, NUM_FEATURE), dtype=jnp.float32) * 0.05
    qd = jnp.asarray(_calc_qd())
    return {"x": x, "landmarks": landmarks, "qd": qd}


def reference(x, landmarks, qd):
    # squared euclidean distance matrix d[b, k] = ||x_b - lm_k||^2
    xlm = jnp.dot(x, landmarks.T)                      # [B, K]
    x2 = jnp.sum(jnp.square(x), axis=1)                # [B]
    x2 = jnp.reshape(x2, (-1, 1))                      # [B, 1] (repeat via broadcast)
    lm2 = jnp.sum(jnp.square(landmarks), axis=1)       # [K]
    d = x2 + lm2 - 2.0 * xlm                           # [B, K]
    # best matching unit per sample (K.argmin default: last axis)
    min_idx = jnp.argmin(d, axis=-1)                   # [B] int
    # gather neighborhood rows from precomputed gaussian grid kernel
    h = jnp.take(qd, min_idx, axis=0)                  # [B, K]
    h = h[:, :, None]                                  # [B, K, 1] -> broadcast over features
    x_expand = x[:, None, :]                           # [B, 1, d] -> broadcast over K
    delta0 = h * (x_expand - landmarks[None, :, :])    # [B, K, d]
    return delta0

if __name__ == "__main__":
    import jax
    _d = setup_inputs()
    print(jax.jit(kernel)(*tuple(_d.values())))

</pallas_src>

<mosaic_0001>
#map = affine_map<(d0, d1) -> (0, 0)>
#map1 = affine_map<(d0, d1) -> (0)>
module attributes {stable_mosaic.version = 14 : i64} {
  func.func @gather_k(%arg0: i32, %arg1: i32, %arg2: memref<1024x1024xf32, #tpu.memory_space<hbm>>, %arg3: memref<1024xi32, #tpu.memory_space<hbm>>, %arg4: memref<1024x1024xf32, #tpu.memory_space<hbm>>, %arg5: memref<32xi32, #tpu.memory_space<vmem>>, %arg6: memref<32x1024xf32, #tpu.memory_space<vmem>>, %arg7: memref<!tpu.dma_semaphore, #tpu.memory_space<semaphore_mem>>) attributes {dimension_semantics = [#tpu.dimension_semantics<core_parallel>, #tpu.dimension_semantics<subcore_parallel>], iteration_bounds = array<i64: 2, 16>, scalar_prefetch = 0 : i64, scratch_operands = 3 : i64, tpu.core_type = #tpu.core_type<sc_vector_subcore>, window_params = [{transform_indices = #map}, {transform_indices = #map1}, {transform_indices = #map}]} {
    %mul3A = arith.constant 2 : i32
    %mul3A_0 = arith.muli %arg1, %mul3A : i32
    %add3A = arith.addi %mul3A_0, %arg0 : i32
    %mul3A_1 = arith.constant 32 : i32
    %mul3A_2 = arith.muli %add3A, %mul3A_1 : i32
    "tpu.region"() ({
      %run_scoped3A = tpu.sem_alloc : memref<!tpu.dma_semaphore, #tpu.memory_space<semaphore_mem>>
      %dma_start3A_7 = tpu.memref_slice %arg3[%mul3A_2] : memref<1024xi32, #tpu.memory_space<hbm>> -> memref<32xi32, #tpu.memory_space<hbm>>
      %dma_start3A_8 = tpu.memref_slice %arg3[%mul3A_2] : memref<1024xi32, #tpu.memory_space<hbm>> -> memref<32xi32, #tpu.memory_space<hbm>>
      tpu.enqueue_dma source(%dma_start3A_8 : memref<32xi32, #tpu.memory_space<hbm>>) target(%arg5 : memref<32xi32, #tpu.memory_space<vmem>>) target_semaphore(%run_scoped3A : memref<!tpu.dma_semaphore, #tpu.memory_space<semaphore_mem>>)
      %dma_wait3A_9 = tpu.memref_slice %arg3[%mul3A_2] : memref<1024xi32, #tpu.memory_space<hbm>> -> memref<32xi32, #tpu.memory_space<hbm>>
      %dma_wait3A_10 = tpu.memref_slice %arg3[%mul3A_2] : memref<1024xi32, #tpu.memory_space<hbm>> -> memref<32xi32, #tpu.memory_space<hbm>>
      tpu.wait_dma2 semaphore(%run_scoped3A : memref<!tpu.dma_semaphore, #tpu.memory_space<semaphore_mem>>) src(%dma_wait3A_10 : memref<32xi32, #tpu.memory_space<hbm>>) dst(%arg5 : memref<32xi32, #tpu.memory_space<vmem>>)
      tpu.yield
    }) : () -> ()
    %dma_start3A = arith.constant 0 : i32
    %dma_start3A_3 = arith.constant 0 : i32
    %dma_start3A_4 = tpu.memref_slice %arg2[%dma_start3A, %dma_start3A_3] : memref<1024x1024xf32, #tpu.memory_space<hbm>> -> memref<1024x1024xf32, #tpu.memory_space<hbm>>
    tpu.enqueue_indirect_dma source(%dma_start3A_4 : memref<1024x1024xf32, #tpu.memory_space<hbm>>) target(%arg6 : memref<32x1024xf32, #tpu.memory_space<vmem>>) offsets(%arg5 : memref<32xi32, #tpu.memory_space<vmem>>) semaphore(%arg7 : memref<!tpu.dma_semaphore, #tpu.memory_space<semaphore_mem>>)
    %dma_wait3A = arith.constant 0 : i32
    %dma_wait3A_5 = arith.constant 0 : i32
    %dma_wait3A_6 = tpu.memref_slice %arg2[%dma_wait3A, %dma_wait3A_5] : memref<1024x1024xf32, #tpu.memory_space<hbm>> -> memref<1024x1024xf32, #tpu.memory_space<hbm>>
    tpu.wait_indirect_dma semaphore(%arg7 : memref<!tpu.dma_semaphore, #tpu.memory_space<semaphore_mem>>) src(%dma_wait3A_6 : memref<1024x1024xf32, #tpu.memory_space<hbm>>) dst(%arg6 : memref<32x1024xf32, #tpu.memory_space<vmem>>)
    "tpu.region"() ({
      %run_scoped3A = tpu.sem_alloc : memref<!tpu.dma_semaphore, #tpu.memory_space<semaphore_mem>>
      %dma_start3A_7 = arith.constant 0 : i32
      %dma_start3A_8 = tpu.memref_slice %arg4[%mul3A_2, %dma_start3A_7] : memref<1024x1024xf32, #tpu.memory_space<hbm>> -> memref<32x1024xf32, #tpu.memory_space<hbm>>
      %dma_start3A_9 = arith.constant 0 : i32
      %dma_start3A_10 = tpu.memref_slice %arg4[%mul3A_2, %dma_start3A_9] : memref<1024x1024xf32, #tpu.memory_space<hbm>> -> memref<32x1024xf32, #tpu.memory_space<hbm>>
      tpu.enqueue_dma source(%arg6 : memref<32x1024xf32, #tpu.memory_space<vmem>>) target(%dma_start3A_10 : memref<32x1024xf32, #tpu.memory_space<hbm>>) target_semaphore(%run_scoped3A : memref<!tpu.dma_semaphore, #tpu.memory_space<semaphore_mem>>)
      %dma_wait3A_11 = arith.constant 0 : i32
      %dma_wait3A_12 = tpu.memref_slice %arg4[%mul3A_2, %dma_wait3A_11] : memref<1024x1024xf32, #tpu.memory_space<hbm>> -> memref<32x1024xf32, #tpu.memory_space<hbm>>
      %dma_wait3A_13 = arith.constant 0 : i32
      %dma_wait3A_14 = tpu.memref_slice %arg4[%mul3A_2, %dma_wait3A_13] : memref<1024x1024xf32, #tpu.memory_space<hbm>> -> memref<32x1024xf32, #tpu.memory_space<hbm>>
      tpu.wait_dma2 semaphore(%run_scoped3A : memref<!tpu.dma_semaphore, #tpu.memory_space<semaphore_mem>>) src(%arg6 : memref<32x1024xf32, #tpu.memory_space<vmem>>) dst(%dma_wait3A_14 : memref<32x1024xf32, #tpu.memory_space<hbm>>)
      tpu.yield
    }) : () -> ()
    return
  }
}

module attributes {stable_mosaic.version = 14 : i64} {
  func.func @_argmin_kernel(%arg0: i32, %arg1: memref<1024x64xf32, #tpu.memory_space<vmem>>, %arg2: memref<64x1024xf32, #tpu.memory_space<vmem>>, %arg3: memref<1024x1xi32, #tpu.memory_space<vmem>>) attributes {dimension_semantics = [#tpu.dimension_semantics<arbitrary>], iteration_bounds = array<i64: 1>, scalar_prefetch = 0 : i64, scratch_operands = 0 : i64, tpu.core_type = #tpu.core_type<tc>, window_params = [{pipeline_mode = #tpu.pipeline_mode<synchronous>, transform_indices = @transform_0, window_bounds = array<i64: 1024, 64>}, {pipeline_mode = #tpu.pipeline_mode<synchronous>, transform_indices = @transform_1, window_bounds = array<i64: 64, 1024>}, {pipeline_mode = #tpu.pipeline_mode<synchronous>, transform_indices = @transform_2, window_bounds = array<i64: 1024, 1>}]} {
    %get3A = arith.constant 0 : index
    %get3A_0 = arith.constant 0 : index
    %get3A_1 = vector.load %arg1[%get3A, %get3A_0] : memref<1024x64xf32, #tpu.memory_space<vmem>>, vector<1024x64xf32>
    %get3A_2 = arith.constant 0 : index
    %get3A_3 = arith.constant 0 : index
    %get3A_4 = vector.load %arg2[%get3A_2, %get3A_3] : memref<64x1024xf32, #tpu.memory_space<vmem>>, vector<64x1024xf32>
    %dot_general3A = arith.constant dense<0.000000e+00> : vector<1024x1024xf32>
    %dot_general3A_5 = tpu.matmul %get3A_1, %get3A_4, %dot_general3A {dimension_numbers = #tpu.dot_dimension_numbers<[1], [0], [0], [1], [0, 0, 1, 1], [], []>, transpose_lhs_hint = false} : vector<1024x64xf32>, vector<64x1024xf32>, vector<1024x1024xf32> -> vector<1024x1024xf32>
    %mul3A = arith.mulf %get3A_1, %get3A_1 : vector<1024x64xf32>
    %reduce_sum3A = arith.constant dense<0.000000e+00> : vector<1024xf32>
    %reduce_sum3A_6 = vector.multi_reduction <add>, %mul3A, %reduce_sum3A [1] : vector<1024x64xf32> to vector<1024xf32>
    %broadcast_in_dim3A = vector.shape_cast %reduce_sum3A_6 : vector<1024xf32> to vector<1024x1xf32>
    %mul3A_7 = arith.mulf %get3A_4, %get3A_4 : vector<64x1024xf32>
    %reduce_sum3A_8 = arith.constant dense<0.000000e+00> : vector<1024xf32>
    %reduce_sum3A_9 = vector.multi_reduction <add>, %mul3A_7, %reduce_sum3A_8 [0] : vector<64x1024xf32> to vector<1024xf32>
    %broadcast_in_dim3A_10 = vector.shape_cast %reduce_sum3A_9 : vector<1024xf32> to vector<1x1024xf32>
    %add3A = vector.broadcast %broadcast_in_dim3A : vector<1024x1xf32> to vector<1024x1024xf32>
    %add3A_11 = vector.broadcast %broadcast_in_dim3A_10 : vector<1x1024xf32> to vector<1024x1024xf32>
    %add3A_12 = arith.addf %add3A, %add3A_11 : vector<1024x1024xf32>
    %mul3A_13 = arith.constant 2.000000e+00 : f32
    %mul3A_14 = vector.broadcast %mul3A_13 : f32 to vector<1024x1024xf32>
    %mul3A_15 = arith.mulf %mul3A_14, %dot_general3A_5 : vector<1024x1024xf32>
    %sub3A = arith.subf %add3A_12, %mul3A_15 : vector<1024x1024xf32>
    %reduce_min3A = arith.constant dense<0x7F800000> : vector<1024xf32>
    %reduce_min3A_16 = vector.multi_reduction <minimumf>, %sub3A, %reduce_min3A [1] : vector<1024x1024xf32> to vector<1024xf32>
    %broadcast_in_dim3A_17 = vector.shape_cast %reduce_min3A_16 : vector<1024xf32> to vector<1024x1xf32>
    %iota3A = tpu.iota {dimensions = array<i32: 1>} : vector<1024x1024xi32>
    %eq3A = vector.broadcast %broadcast_in_dim3A_17 : vector<1024x1xf32> to vector<1024x1024xf32>
    %eq3A_18 = arith.cmpf oeq, %sub3A, %eq3A : vector<1024x1024xf32>
    %jit3A = arith.constant 1024 : i32
    %broadcast_in_dim3A_19 = vector.broadcast %jit3A : i32 to vector<1024x1024xi32>
    %select_n3A = arith.select %eq3A_18, %iota3A, %broadcast_in_dim3A_19 : vector<1024x1024xi1>, vector<1024x1024xi32>
    %reduce_min3A_20 = arith.constant dense<2147483647> : vector<1024xi32>
    %reduce_min3A_21 = vector.multi_reduction <minsi>, %select_n3A, %reduce_min3A_20 [1] : vector<1024x1024xi32> to vector<1024xi32>
    %broadcast_in_dim3A_22 = vector.shape_cast %reduce_min3A_21 : vector<1024xi32> to vector<1024x1xi32>
    %swap3A = arith.constant 0 : index
    %swap3A_23 = arith.constant 0 : index
    %swap3A_24 = vector.load %arg3[%swap3A, %swap3A_23] : memref<1024x1xi32, #tpu.memory_space<vmem>>, vector<1024x1xi32>
    tpu.vector_store %arg3[%swap3A, %swap3A_23], %broadcast_in_dim3A_22 {strides = array<i32>} : memref<1024x1xi32, #tpu.memory_space<vmem>>, vector<1024x1xi32>,
    return
  }
  func.func @transform_0(%arg0: i32) -> (i32, i32) {
    %c0_i32 = arith.constant 0 : i32
    %c0_i32_0 = arith.constant 0 : i32
    %c0_i32_1 = arith.constant 0 : i32
    return %c0_i32, %c0_i32_0 : i32, i32
  }
  func.func @transform_1(%arg0: i32) -> (i32, i32) {
    %c0_i32 = arith.constant 0 : i32
    %c0_i32_0 = arith.constant 0 : i32
    %c0_i32_1 = arith.constant 0 : i32
    return %c0_i32, %c0_i32_0 : i32, i32
  }
  func.func @transform_2(%arg0: i32) -> (i32, i32) {
    %c0_i32 = arith.constant 0 : i32
    %c0_i32_0 = arith.constant 0 : i32
    %c0_i32_1 = arith.constant 0 : i32
    return %c0_i32, %c0_i32_0 : i32, i32
  }
}

module attributes {stable_mosaic.version = 14 : i64} {
  func.func @_delta_kernel(%arg0: i32, %arg1: memref<32x64xf32, #tpu.memory_space<vmem>>, %arg2: memref<64x1024xf32, #tpu.memory_space<vmem>>, %arg3: memref<32x1024xf32, #tpu.memory_space<vmem>>, %arg4: memref<32x64x1024xf32, #tpu.memory_space<vmem>>) attributes {dimension_semantics = [#tpu.dimension_semantics<parallel>], iteration_bounds = array<i64: 32>, scalar_prefetch = 0 : i64, scratch_operands = 0 : i64, tpu.core_type = #tpu.core_type<tc>, window_params = [{transform_indices = @transform_0, window_bounds = array<i64: 32, 64>}, {pipeline_mode = #tpu.pipeline_mode<synchronous>, transform_indices = @transform_1, window_bounds = array<i64: 64, 1024>}, {transform_indices = @transform_2, window_bounds = array<i64: 32, 1024>}, {transform_indices = @transform_3, window_bounds = array<i64: 32, 64, 1024>}]} {
    %get3A = arith.constant 0 : index
    %get3A_0 = arith.constant 0 : index
    %get3A_1 = vector.load %arg1[%get3A, %get3A_0] : memref<32x64xf32, #tpu.memory_space<vmem>>, vector<32x64xf32>
    %get3A_2 = arith.constant 0 : index
    %get3A_3 = arith.constant 0 : index
    %get3A_4 = vector.load %arg2[%get3A_2, %get3A_3] : memref<64x1024xf32, #tpu.memory_space<vmem>>, vector<64x1024xf32>
    %get3A_5 = arith.constant 0 : index
    %get3A_6 = arith.constant 0 : index
    %get3A_7 = vector.load %arg3[%get3A_5, %get3A_6] : memref<32x1024xf32, #tpu.memory_space<vmem>>, vector<32x1024xf32>
    %broadcast_in_dim3A = vector.shape_cast %get3A_7 : vector<32x1024xf32> to vector<32x1x1024xf32>
    %broadcast_in_dim3A_8 = vector.shape_cast %get3A_1 : vector<32x64xf32> to vector<32x64x1xf32>
    %broadcast_in_dim3A_9 = vector.shape_cast %get3A_4 : vector<64x1024xf32> to vector<1x64x1024xf32>
    %sub3A = vector.broadcast %broadcast_in_dim3A_8 : vector<32x64x1xf32> to vector<32x64x1024xf32>
    %sub3A_10 = vector.broadcast %broadcast_in_dim3A_9 : vector<1x64x1024xf32> to vector<32x64x1024xf32>
    %sub3A_11 = arith.subf %sub3A, %sub3A_10 : vector<32x64x1024xf32>
    %mul3A = vector.broadcast %broadcast_in_dim3A : vector<32x1x1024xf32> to vector<32x64x1024xf32>
    %mul3A_12 = arith.mulf %mul3A, %sub3A_11 : vector<32x64x1024xf32>
    %swap3A = arith.constant 0 : index
    %swap3A_13 = arith.constant 0 : index
    %swap3A_14 = arith.constant 0 : index
    %swap3A_15 = vector.load %arg4[%swap3A, %swap3A_13, %swap3A_14] : memref<32x64x1024xf32, #tpu.memory_space<vmem>>, vector<32x64x1024xf32>
    tpu.vector_store %arg4[%swap3A, %swap3A_13, %swap3A_14], %mul3A_12 {strides = array<i32>} : memref<32x64x1024xf32, #tpu.memory_space<vmem>>, vector<32x64x1024xf32>,
    return
  }
  func.func @transform_0(%arg0: i32) -> (i32, i32) {
    %c0_i32 = arith.constant 0 : i32
    %c0_i32_0 = arith.constant 0 : i32
    return %arg0, %c0_i32 : i32, i32
  }
  func.func @transform_1(%arg0: i32) -> (i32, i32) {
    %c0_i32 = arith.constant 0 : i32
    %c0_i32_0 = arith.constant 0 : i32
    %c0_i32_1 = arith.constant 0 : i32
    return %c0_i32, %c0_i32_0 : i32, i32
  }
  func.func @transform_2(%arg0: i32) -> (i32, i32) {
    %c0_i32 = arith.constant 0 : i32
    %c0_i32_0 = arith.constant 0 : i32
    return %arg0, %c0_i32 : i32, i32
  }
  func.func @transform_3(%arg0: i32) -> (i32, i32, i32) {
    %c0_i32 = arith.constant 0 : i32
    %c0_i32_0 = arith.constant 0 : i32
    %c0_i32_1 = arith.constant 0 : i32
    return %arg0, %c0_i32, %c0_i32_0 : i32, i32, i32
  }
}

</mosaic_0001>

<sc_bundles>
// kernel: kernel.5.cloned.1.call-start
scs
__scs_entry_jumppad:
0x0: {  	(pc) =	sbr.rel $0x88, $3  }
0x1: {  	(tag) =	ssettag $0x0;
	lr =	simm.s32 $0x1  }
0x2: {  	[smem:$0x3F9E] =	sst lr;
	_ =	strace $0xD0000000  }
0x3: {  	_ = 	snop  }
0x4: {  	_ = 	snop  }
0x5: {  	_ = 	snop  }
0x6: {  	_ = 	snop  }
0x7: {  	_ = 	snop  }
__scs_overlays_trampoline_lowered:
0x8: {  	[smem:$0x3FAD] =	sst s0  }
0x9: {  	[smem:$0x3FAE] =	sst s1  }
0xa: {  	[smem:$0x3FAF] =	sst s2  }
0xb: {  	[smem:$0x3FB0] =	sst s3  }
0xc: {  	[smem:$0x3FB1] =	sst s4  }
0xd: {  	[smem:$0x3FB2] =	sst s5  }
0xe: {  	[smem:$0x3FB3] =	sst s6  }
0xf: {  	[smem:$0x3FB4] =	sst s7  }
0x10: {  	[smem:$0x3FB5] =	sst s8  }
0x11: {  	[smem:$0x3FB6] =	sst s9;
	s0 =	simm.s32 @!p0 $0x0  }
0x12: {  	s1 =	sld [smem:$0x3F9C];
	s0 =	simm.s32 @p0 $0x1  }
0x13: {  	[smem:$0x3FB7] =	sst s0;
	s0 =	simm.s32 @!p1 $0x0  }
0x14: {  	s2 =	sld [smem:$0x3F9B];
	s0 =	simm.s32 @p1 $0x1  }
0x15: {  	[smem:$0x3FB8] =	sst s0;
	s0 =	simm.s32 @!p2 $0x0  }
0x16: {  	s3 =	sld [smem:$0x3FDB];
	s0 =	simm.s32 @p2 $0x1  }
0x17: {  	s4 =	simm.s32 $0x1BF5;
	[smem:$0x3FBA] =	sst s0  }
0x18: {  	s0 =	sld [smem:$0x3F9D];
	_ =	swait.ge [sflag:s4], $0x0  }
0x19: {  	s7 =	sld [smem:$0x3F9E]  }
0x1a: {  	s8 =	sadd.s32 $0xFFFFE003, lr  }
0x1b: {  	s9 =	sadd.s32 $0xFFFFFEF7, lr;
	s5 =	simm.s32 $0xFFFFFFFF;
	p2 =	slt.u32 s8, $0xFFFFF086  }
0x1c: {  	p1 =	slt.u32 s9, $0xF7A;
	s5 =	simm.s32 @!p2 $0x0  }
0x1d: {  	s5 =	simm.s32 @p1 $0x1;
	p0 =	seq.s32 s7, s2  }
0x1e: {  	s7 =	smul.u32 @!p0 $0xF7A, s2;
	p2 =	seq.s32 @!p0 s5, $0x0  }
0x1f: {  	s9 =	smul.u32 $0xF7A, s1;
	s8 =	simm.s32 @!p0 $0x1BF5;
	p2 =	por !p2, p0  }
0x20: {  	[sflag:s8] =	ssyncset.s32 @!p0 $0xFFFFF086;
	s6 =	sadd.s32 @!p0 s3, s7;
	s7 =	simm.s32 @!p0 $0x108  }
0x21: {  	s3 =	sadd.s32 s3, s9;
	s6 =	sadd.s32 @!p0 $0x88, s6;
	s7 =	simm.s32 @p2 $0x1082  }
0x22: {  	[simem:s7], [sflag:s8] =	dma.local @!p0 [hbm:s6], $0xF7A  }
0x23: {  	s9 =	sor.u32 $0xD0000000, s2;
	s6 =	simm.s32 $0x108;
	_ =	swait.ge @!p0 [sflag:s8], $0x0  }
0x24: {  	s3 =	sadd.s32 $0x88, s3;
	s6 =	simm.s32 @!p1 $0x1082;
	[sflag:s4] =	ssyncset.s32 $0xFFFFF086  }
0x25: {  	[simem:s6], [sflag:s4] =	dma.local [hbm:s3], $0xF7A  }
0x26: {  	[smem:$0x3F9E] =	sst s1;
	(tag) =	ssettag s2;
	_ =	strace s9  }
0x27: {  	s1 =	sld [smem:$0x3FAE]  }
0x28: {  	s2 =	sld [smem:$0x3FAF]  }
0x29: {  	s4 =	sld [smem:$0x3FB1]  }
0x2a: {  	p0 =	seq.s32 s5, $0x0;
	s5 =	sld [smem:$0x3FB2]  }
0x2b: {  	s6 =	sld [smem:$0x3FB3]  }
0x2c: {  	s7 =	sld [smem:$0x3FB4]  }
0x2d: {  	s3 =	simm.s32 $0x108;
	s8 =	sld [smem:$0x3FB5]  }
0x2e: {  	s3 =	simm.s32 @!p0 $0x1082;
	s9 =	sld [smem:$0x3FB6]  }
0x2f: {  	lr =	sadd.s32 s0, s3;
	s0 =	sld [smem:$0x3FAD]  }
0x30: {  	s3 =	sld [smem:$0x3FB0]  }
0x31: {  	[smem:$0x3FB9] =	sst s10  }
0x32: {  	s10 =	sld [smem:$0x3FB7];
	_ =	sdelay $0x3  }
0x33: {  	p0 =	seq.s32 s10, $0x1;
	s10 =	sld [smem:$0x3FB9];
	_ =	sdelay $0x3  }
0x34: {  	[smem:$0x3FB9] =	sst s10  }
0x35: {  	s10 =	sld [smem:$0x3FB8];
	_ =	sdelay $0x3  }
0x36: {  	p1 =	seq.s32 s10, $0x1;
	s10 =	sld [smem:$0x3FB9];
	_ =	sdelay $0x3  }
0x37: {  	[smem:$0x3FB9] =	sst s10  }
0x38: {  	s10 =	sld [smem:$0x3FBA]  }
0x39: {  	_ = 	snop;
	(pc) =	sbr.ind lr, $3  }
0x3a: {  	_ = 	snop  }
0x3b: {  	_ = 	snop  }
0x3c: {  	p2 =	seq.s32 s10, $0x1;
	s10 =	sld [smem:$0x3FB9]  }
0x3d: {  	_ =	shalt  }
0x3e: {  	_ =	shalt  }
0x3f: {  	_ =	shalt  }
0x40: {  	_ =	shalt  }
0x41: {  	_ =	shalt  }
0x42: {  	_ =	shalt  }
0x43: {  	_ =	shalt  }
0x44: {  	_ =	shalt  }
0x45: {  	_ =	shalt  }
0x46: {  	_ =	shalt  }
0x47: {  	_ =	shalt  }
0x48: {  	_ =	shalt  }
0x49: {  	_ =	shalt  }
0x4a: {  	_ =	shalt  }
0x4b: {  	_ =	shalt  }
0x4c: {  	_ =	shalt  }
0x4d: {  	_ =	shalt  }
0x4e: {  	_ =	shalt  }
0x4f: {  	_ =	shalt  }
0x50: {  	_ =	shalt  }
0x51: {  	_ =	shalt  }
0x52: {  	_ =	shalt  }
0x53: {  	_ =	shalt  }
0x54: {  	_ =	shalt  }
0x55: {  	_ =	shalt  }
0x56: {  	_ =	shalt  }
0x57: {  	_ =	shalt  }
0x58: {  	_ =	shalt  }
0x59: {  	_ =	shalt  }
0x5a: {  	_ =	shalt  }
0x5b: {  	_ =	shalt  }
0x5c: {  	_ =	shalt  }
0x5d: {  	_ =	shalt  }
0x5e: {  	_ =	shalt  }
0x5f: {  	_ =	shalt  }
0x60: {  	_ =	shalt  }
0x61: {  	_ =	shalt  }
0x62: {  	_ =	shalt  }
0x63: {  	_ =	shalt  }
0x64: {  	_ =	shalt  }
0x65: {  	_ =	shalt  }
0x66: {  	_ =	shalt  }
0x67: {  	_ =	shalt  }
0x68: {  	_ =	shalt  }
0x69: {  	_ =	shalt  }
0x6a: {  	_ =	shalt  }
0x6b: {  	_ =	shalt  }
0x6c: {  	_ =	shalt  }
0x6d: {  	_ =	shalt  }
0x6e: {  	_ =	shalt  }
0x6f: {  	_ =	shalt  }
0x70: {  	_ =	shalt  }
0x71: {  	_ =	shalt  }
0x72: {  	_ =	shalt  }
0x73: {  	_ =	shalt  }
0x74: {  	_ =	shalt  }
0x75: {  	_ =	shalt  }
0x76: {  	_ =	shalt  }
0x77: {  	_ =	shalt  }
0x78: {  	_ =	shalt  }
0x79: {  	_ =	shalt  }
0x7a: {  	_ =	shalt  }
0x7b: {  	_ =	shalt  }
0x7c: {  	_ =	shalt  }
0x7d: {  	_ =	shalt  }
0x7e: {  	_ =	shalt  }
0x7f: {  	_ =	shalt  }
0x80: {  	_ =	shalt  }
0x81: {  	_ =	shalt  }
0x82: {  	_ =	shalt  }
0x83: {  	_ =	shalt  }
0x84: {  	_ =	shalt  }
0x85: {  	_ =	shalt  }
0x86: {  	_ =	shalt  }
0x87: {  	_ =	shalt  }
.Lfunc_end0:
.L_simem_size_0:
called_computation_lowered:
.L_overlay_start_0:
0x88: {  	s2 =	sld [smem:$0x3FD9]  }
0x89: {  	s3 =	sld [smem:$0x3FFE];
	_ =	sdelay $0x1  }
0x8a: {  	s1 =	srdreg.scid  }
0x8b: {  	s0 =	sand.u32 $0x1, s1  }
0x8c: {  	s17 =	sshll.u32 s0, $0xA;
	s2 =	sadd.s32 s3, s2  }
0x8d: {  	s2 =	sadd.s32 s2, s17  }
0x8e: {  	[smem:$0x3FC5] =	sst s2  }
0x8f: {  	_ = 	snop  }
0x90: {  	s2 =	sld [smem:$0x3FC7]  }
0x91: {  	s18 =	sld [smem:$0x3FD0];
	(tm) =	ssettm $0x1  }
0x92: {  	s4 =	sld [smem:$0x3FFB];
	_ =	sdelay $0x3  }
0x93: {  	_ =	strace s4  }
0x94: {  	s4 =	sld [smem:$0x3FFC];
	_ =	sdelay $0x3  }
0x95: {  	_ =	strace s4  }
0x96: {  	s4 =	sld [smem:$0x3FFD];
	_ =	sdelay $0x3  }
0x97: {  	_ =	strace s4  }
0x98: {  	_ =	strace $0x8FFFFFFF  }
0x99: {  	s19 =	sld [smem:$0x3FDB];
	_ =	sdelay $0x1  }
0x9a: {  	s5 =	simm.s32 $_scs_section_size  }
0x9b: {  	s6 =	simm.s32 $_size__tile_overlayer_lowered;
	s7 =	simm.s32 $_tile_overlayer_lowered  }
0x9c: {  	s22 =	simm.s32 $0x1BFF;
	s21 =	sshll.u32 s7, $0x1;
	s4 =	sadd.s32 s5, s19  }
0x9d: {  	s8 =	simm.s32 $0x0;
	s20 =	sshll.u32 s6, $0x1;
	s6 =	sadd.s32 s21, s4  }
0x9e: {  	[timem:s8], [sflag:s22] =	dma.local [hbm:s6], s20  }
0x9f: {  	_ =	swait.ge [sflag:s22], s20  }
0xa0: {  	s5 =	ssub.s32 $0x0, s20;
	[sflag:s22] =	ssyncset.done $0x0  }
0xa1: {  	[sflag:s22] =	ssyncadd.s32 s5;
	_ =	sdelay $0x1  }
0xa2: {  	s23 =	simm.s32 $0x1B8B  }
0xa3: {  	_ =	swait.ge [sflag:s23], $0x1  }
0xa4: {  	[sflag:s23] =	ssyncset.done $0x0  }
0xa5: {  	s25 =	simm.s32 $0x1B8E;
	s24 =	sld [smem:$0x3FFE];
	[sflag:s23] =	ssyncadd.s32 $0xFFFFFFFF  }
0xa6: {  	s26 =	simm.s32 $execute0_lowered;
	[smem:$0x3FD2] =	sst s25  }
0xa7: {  	s6 =	sshll.u32 s26, $0x1;
	_ =	strace $0x80000046;
	[dreg:$0x1] =	wrdreg $0xFFFFFFFF  }
0xa8: {  	s28 =	simm.s32 $_size_execute0_lowered;
	s4 =	sadd.s32 s4, s6;
	[dreg:$0x0] =	wrdreg $0x0  }
0xa9: {  	s6 =	sshll.u32 s28, $0x1;
	[dreg:$0x2] =	wrdreg s4  }
0xaa: {  	[dreg:$0x3] =	wrdreg s6  }
0xab: {  	[dreg:$0x4] =	wrdreg $0xC0  }
0xac: {  	_ =	task [dreg:s8], $0x5FFFF  }
0xad: {  	[dreg:$0x1] =	wrdreg $0xFFFFFFFF  }
0xae: {  	[dreg:$0x0] =	wrdreg $0x60  }
0xaf: {  	[dreg:$0x2] =	wrdreg s2  }
0xb0: {  	[dreg:$0x3] =	wrdreg s24  }
0xb1: {  	[dreg:$0x4] =	wrdreg s18  }
0xb2: {  	[dreg:$0x5] =	wrdreg $0x9  }
0xb3: {  	_ =	task.clear_ibuf [dreg:s8], $0x6FFFF;
	_ =	strace $0x90000046  }
0xb4: {  	s29 =	simm.s32 $0x9;
	_ =	strace $0x80000048  }
0xb5: {  	_ =	swait.ge [sflag:s29], $0x1  }
0xb6: {  	[sflag:s29] =	ssyncadd.s32 $0xFFFFFFFF  }
0xb7: {  	_ =	strace $0x90000048  }
0xb8: {  	_ =	sfence  }
0xb9: {  	s30 =	sld [smem:$0x0];
	_ =	sdelay $0x2  }
0xba: {  	s31 =	sshll.u32 s1, $0xD;
	s1 =	sshrl.u32 s1, $0x2  }
0xbb: {  	s3 =	sand.u32 $0x4000, s31;
	s1 =	sadd.s32 s1, s30  }
0xbc: {  	s0 =	sor.u32 s3, s0;
	s1 =	sshll.u32 s1, $0x11  }
0xbd: {  	s0 =	sor.u32 s1, s0  }
0xbe: {  	s0 =	sadd.s32 $0x8F2B, s0  }
0xbf: {  	[sflag:s0] =	ssyncadd.remote.s32 $0x1  }
0xc0: {  	_ =	sfence.sel $0xFFFF  }
0xc1: {  	[dreg:$0x0] =	wrdreg $0xFFFFFFFF;
	(pc) =	sbr.abs _section_cstart, $3  }
0xc2: {  	[dreg:$0x1] =	wrdreg $0xFFFFFFFF  }
0xc3: {  	_ =	task.clear_ibuf [dreg:s8], $0x2FFFF;
	_ =	strace $0x9FFFFFFF  }
0xc4: {  	(tm) =	ssettm $0x7FFFFFFF  }
0xc5: {  	_ =	shalt  }
tec
execute0_lowered:
.L_overlay_start_1:
0x0: {  	(tag) =	ssettag $0x1  }
0x1: {  	s1 =	rddreg [dreg:$0x0];
	s2 =	srdreg.scid  }
0x2: {  	s4 =	rddreg [dreg:$0x1];
	s0 =	stileid.u32  }
0x3: {  	s8 =	rddreg [dreg:$0x2];
	s11 =	simm.s32 $0x80;
	s12 =	simm.s32 $0x880  }
0x4: {  	s13 =	simm.s32 $0x1080;
	s14 =	simm.s32 $0x1880;
	s15 =	simm.s32 $0x2080  }
0x5: {  	s16 =	simm.s32 $0x2880;
	s17 =	simm.s32 $0x3080;
	s18 =	simm.s32 $0x3880  }
0x6: {  	s19 =	simm.s32 $0x4080;
	s20 =	simm.s32 $0x4880;
	s21 =	simm.s32 $0x5080  }
0x7: {  	s22 =	simm.s32 $0x5880;
	s23 =	simm.s32 $0x6080;
	s24 =	simm.s32 $0x6880  }
0x8: {  	s25 =	simm.s32 $0x7080;
	s26 =	simm.s32 $0x7880;
	s5 =	sand.u32 $0x1, s2  }
0x9: {  	s28 =	simm.s32 $0x1;
	s3 =	sshll.u32 s0, $0x6;
	s6 =	sshll.u32 s5, $0x5  }
0xa: {  	s2 =	rddreg [dreg:$0x3];
	s5 =	ssub.s32 $0x2, s5;
	s7 =	sor.u32 s6, s3  }
0xb: {  	s3 =	simm.s32 $0x0;
	s31 =	sshrl.u32 s5, $0x1;
	s6 =	sshrl.u32 s7, $0x3  }
0xc: {  	[smem:$0x7FF] =	sst s3;
	s9 =	ssub.s32 s5, s31;
	s5 =	sadd.s32 $0x100, s1  }
0xd: {  	v2 =	vlaneseq.u32;
	s10 =	sshll.u32 s7, $0x7;
	s7 =	sadd.s32 $0x300, s1;
	s4 =	sadd.s32 s6, s4  }
0xe: {  	vm0 =	vmmov $0xffff;
	v1 =	vshrl.u32 v2, $0x3;
	_ =	strace $0x80000047;
	s6 =	sadd.s32 $0x200, s1;
	s8 =	sadd.s32 s8, s10  }
0xf: {  	v0 =	vand.u32 $0x7, v2;
	v2 =	vor.u32 $0x8, v2;
	v1 =	vmul.u32 $0x8, v1;
	s9 =	smax.u32 s9, $0x1;
	s10 =	simm.s32 $0x2;
	s4 =	sadd.s32 $0x600, s4  }
.LBB2_1:
0x10: {  	[tilespmem:s3], [sflag:$0x2] =	stream.linear.gather [hbm4b:s4+s3], $0x20, $0x38;
	[tilespmem:$0x8080] =	vst v63  }
0x11: {  	_ =	swait.ge [sflag:s10], $0x20  }
0x12: {  	[sflag:s10] =	ssyncset.done $0x0  }
0x13: {  	[sflag:s10] =	ssyncadd.s32 $0xFFFFFFE0  }
0x14: {  	v3 =	vld [tilespmem:$0x0];
	_ =	sdelay $0x4  }
0x15: {  	v4 =	vshll.u32 v3, $0x3  }
0x16: {  	v3 =	vand.u32 $0x7, v3;
	v4 =	vand.u32 $0xFFFFFFC0, v4  }
0x17: {  	v3 =	vor.u32 v3, v4  }
0x18: {  	v4 =	vperm.xlane v3, v0;
	_ =	sdelay $0x1  }
0x19: {  	v4 =	vadd.s32 v1, v4;
	_ =	sdelay $0x4  }
0x1a: {  	[tilespmem:s11], [sflag:$0x1] =	stream.indirect_vreg.gather [hbm4b:s1+s3], $0x80, v4, vm0, $0xb8;
	[tilespmem:$0x8080] =	vst v63  }
0x1b: {  	v3 =	vperm.xlane v3, v2  }
0x1c: {  	[tilespmem:s12], [sflag:$0x1] =	stream.indirect_vreg.gather [hbm4b:s5+s3], $0x80, v4, vm0, $0xb8;
	[tilespmem:$0x8080] =	vst v63  }
0x1d: {  	v3 =	vadd.s32 v1, v3  }
0x1e: {  	[tilespmem:s13], [sflag:$0x1] =	stream.indirect_vreg.gather [hbm4b:s6+s3], $0x80, v4, vm0, $0xb8;
	[tilespmem:$0x8080] =	vst v63  }
0x1f: {  	_ = 	snop  }
0x20: {  	[tilespmem:s14], [sflag:$0x1] =	stream.indirect_vreg.gather [hbm4b:s7+s3], $0x80, v4, vm0, $0xb8;
	[tilespmem:$0x8080] =	vst v63  }
0x21: {  	_ = 	snop  }
0x22: {  	[tilespmem:s15], [sflag:$0x1] =	stream.indirect_vreg.gather [hbm4b:s1+s3], $0x80, v3, vm0, $0xb8;
	[tilespmem:$0x8080] =	vst v63  }
0x23: {  	_ = 	snop  }
0x24: {  	[tilespmem:s16], [sflag:$0x1] =	stream.indirect_vreg.gather [hbm4b:s5+s3], $0x80, v3, vm0, $0xb8;
	[tilespmem:$0x8080] =	vst v63  }
0x25: {  	_ = 	snop  }
0x26: {  	[tilespmem:s17], [sflag:$0x1] =	stream.indirect_vreg.gather [hbm4b:s6+s3], $0x80, v3, vm0, $0xb8;
	[tilespmem:$0x8080] =	vst v63  }
0x27: {  	_ = 	snop  }
0x28: {  	[tilespmem:s18], [sflag:$0x1] =	stream.indirect_vreg.gather [hbm4b:s7+s3], $0x80, v3, vm0, $0xb8;
	[tilespmem:$0x8080] =	vst v63  }
0x29: {  	v3 =	vld [tilespmem:$0x10];
	_ =	sdelay $0x4  }
0x2a: {  	v63 =	vshll.u32 v3, $0x3  }
0x2b: {  	v3 =	vand.u32 $0x7, v3;
	v4 =	vand.u32 $0xFFFFFFC0, v63  }
0x2c: {  	v3 =	vor.u32 v3, v4  }
0x2d: {  	v4 =	vperm.xlane v3, v0;
	_ =	sdelay $0x1  }
0x2e: {  	v4 =	vadd.s32 v1, v4;
	_ =	sdelay $0x4  }
0x2f: {  	[tilespmem:s19], [sflag:$0x1] =	stream.indirect_vreg.gather [hbm4b:s1+s3], $0x80, v4, vm0, $0xb8;
	[tilespmem:$0x8080] =	vst v63  }
0x30: {  	v3 =	vperm.xlane v3, v2  }
0x31: {  	[tilespmem:s20], [sflag:$0x1] =	stream.indirect_vreg.gather [hbm4b:s5+s3], $0x80, v4, vm0, $0xb8;
	[tilespmem:$0x8080] =	vst v63  }
0x32: {  	v3 =	vadd.s32 v1, v3  }
0x33: {  	[tilespmem:s21], [sflag:$0x1] =	stream.indirect_vreg.gather [hbm4b:s6+s3], $0x80, v4, vm0, $0xb8;
	[tilespmem:$0x8080] =	vst v63  }
0x34: {  	_ = 	snop  }
0x35: {  	[tilespmem:s22], [sflag:$0x1] =	stream.indirect_vreg.gather [hbm4b:s7+s3], $0x80, v4, vm0, $0xb8;
	[tilespmem:$0x8080] =	vst v63  }
0x36: {  	_ = 	snop  }
0x37: {  	[tilespmem:s23], [sflag:$0x1] =	stream.indirect_vreg.gather [hbm4b:s1+s3], $0x80, v3, vm0, $0xb8;
	[tilespmem:$0x8080] =	vst v63  }
0x38: {  	_ = 	snop  }
0x39: {  	[tilespmem:s24], [sflag:$0x1] =	stream.indirect_vreg.gather [hbm4b:s5+s3], $0x80, v3, vm0, $0xb8;
	[tilespmem:$0x8080] =	vst v63  }
0x3a: {  	_ = 	snop  }
0x3b: {  	[tilespmem:s25], [sflag:$0x1] =	stream.indirect_vreg.gather [hbm4b:s6+s3], $0x80, v3, vm0, $0xb8;
	[tilespmem:$0x8080] =	vst v63  }
0x3c: {  	_ = 	snop  }
0x3d: {  	[tilespmem:s26], [sflag:$0x1] =	stream.indirect_vreg.gather [hbm4b:s7+s3], $0x80, v3, vm0, $0xb8;
	[tilespmem:$0x8080] =	vst v63  }
0x3e: {  	_ =	swait.ge [sflag:s28], $0x8000  }
0x3f: {  	p0 =	sne.s32 s9, $0x1;
	[sflag:s28] =	ssyncset.done $0x0  }
.Ltmp0:
0x40: {  	[sflag:s28] =	ssyncadd.s32 $0xFFFF8000;
	(pc) =	sbr.rel @p0 .LBB2_1-.Ltmp0, $4  }
0x41: {  	[hbm4b:s8+s3] =	stream.linear.scatter [tilespmem:s11], [sflag:$0x2], $0x8000, $0x38;
	[tilespmem:$0x8080] =	vst v63  }
0x42: {  	_ =	swait.ge [sflag:s10], $0x8000  }
0x43: {  	[sflag:s10] =	ssyncset.done $0x0  }
0x44: {  	s9 =	sadd.s32 $0xFFFFFFFF, s9;
	[sflag:s10] =	ssyncadd.s32 $0xFFFF8000  }
0x45: {  	_ =	sfence.sel $0x180000  }
0x46: {  	[bflag:$0x0] =	sbarrier.arrive $0xFFFF  }
0x47: {  	p0 =	sne.s32 s0, $0x0;
	_ =	strace $0x90000047  }
0x48: {  	s0 =	sadd.s32 @!p0 $0x100000, s2;
	[bflag:$0x2] =	sbarrier.arrive $0xFFFF  }
0x49: {  	[sflag:s0] =	ssyncadd.tile.s32 @!p0 $0x1;
	_ =	shalt  }
.Lfunc_end2:
_tile_overlayer_lowered:
.L_overlay_start_2:
0x4a: {  	(tag) =	ssettag $0x2  }
0x4b: {  	s0 =	rddreg [dreg:$0x0];
	s2 =	stileid.u32  }
0x4c: {  	s1 =	rddreg [dreg:$0x1];
	p0 =	sne.s32 s2, $0x0  }
0x4d: {  	s3 =	rddreg [dreg:$0x2];
	[bflag:$0x3] =	sbarrier.arrive $0xFFFF;
	s2 =	simm.s32 @!p0 $0x1C02  }
0x4e: {  	[timem:s3], [sflag:s2] =	dma.local @!p0 [hbm:s0], s1  }
0x4f: {  	s0 =	simm.s32 @!p0 $0x2  }
0x50: {  	_ =	swait.ge @!p0 [sflag:s0], s1  }
0x51: {  	s1 =	ssub.s32 @!p0 $0x0, s1;
	[sflag:s0] =	ssyncset.done @!p0 $0x0  }
0x52: {  	[sflag:s0] =	ssyncadd.s32 @!p0 s1  }
0x53: {  	[bflag:$0x3] =	sbarrier.arrive $0xFFFF  }
0x54: {  	_ =	shalt  }

</sc_bundles>
